<compile_context>
chip_gen: v7x
topology: tpu7x:2x2x1
jax: 0.10.2.dev20260603
libtpu: 0.0.44.dev20260713+nightly
codegen_flags: <defaults>
</compile_context>

<pallas_src>
import dataclasses
import functools

import jax
import jax.numpy as jnp
from jax import lax
from jax.experimental import pallas as pl
from jax.experimental.pallas import tpu as pltpu
from jax.experimental.pallas import tpu_sc as plsc

_B = 4096
_D_IN = 1024
_D_H = 1024
_SW = 16384

_NC = 2
_NS = 16
_NW = _NC * _NS
_BPW = _B // _NW

_BM = 1024
_RPB = _BM // _BPW


def _sc_gather(table, index):
  mesh = plsc.VectorSubcoreMesh(core_axis_name="c", subcore_axis_name="s")
  cp = pltpu.CompilerParams()
  if "needs_layout_passes" in pltpu.CompilerParams.__dataclass_fields__:
    cp = dataclasses.replace(cp, needs_layout_passes=False)

  @functools.partial(
      pl.kernel,
      mesh=mesh,
      compiler_params=cp,
      out_type=jax.ShapeDtypeStruct((_NW, _BPW), jnp.float32),
      scratch_types=[
          pltpu.VMEM((_BPW, 1), jnp.int32),
          pltpu.VMEM((_BPW,), jnp.int32),
          pltpu.VMEM((1, _BPW), jnp.float32),
          pltpu.SemaphoreType.DMA,
      ],
  )
  def k(table_hbm, idx_hbm, out_hbm, idx_v2, idx_lin, out_v, sem):
    wid = lax.axis_index("s") * _NC + lax.axis_index("c")
    base = wid * _BPW
    pltpu.sync_copy(idx_hbm.at[pl.ds(base, _BPW)], idx_v2)
    k16 = lax.iota(jnp.int32, 16)
    z16 = jnp.zeros((16,), jnp.int32)

    @pl.loop(0, _BPW, step=16)
    def _(j):
      idx_lin[pl.ds(j, 16)] = plsc.load_gather(idx_v2, [j + k16, z16])

    pltpu.async_copy(table_hbm.at[idx_lin], out_v.at[0], sem).wait()
    pltpu.sync_copy(out_v, out_hbm.at[pl.ds(wid, 1)])

  return k(table, index)


def _tc_body(x_ref, y_ref, sw_ref, w1_ref, b1_ref, w2_ref, b2_ref, out_ref):
  xb = x_ref[...].astype(jnp.bfloat16)
  w1b = w1_ref[...].astype(jnp.bfloat16)
  h = jnp.dot(xb, w1b, preferred_element_type=jnp.float32) + b1_ref[...]
  hb = jnp.maximum(h, 0.0).astype(jnp.bfloat16)
  w2b = w2_ref[...].astype(jnp.bfloat16)
  pred = jnp.dot(hb, w2b, preferred_element_type=jnp.float32)
  e = pred + b2_ref[...] - y_ref[...]
  e2 = e * e
  i = pl.program_id(0)
  parts = [
      jnp.dot(sw_ref[pl.ds(i * _RPB + r, 1), :],
              e2[r * _BPW : (r + 1) * _BPW, :],
              preferred_element_type=jnp.float32)
      for r in range(_RPB)
  ]
  while len(parts) > 1:
    parts = [parts[i2] + parts[i2 + 1] for i2 in range(0, len(parts), 2)]
  partial = parts[0] * (1.0 / _B)

  @pl.when(i == 0)
  def _():
    out_ref[...] = jnp.zeros_like(out_ref)

  out_ref[...] += partial


def _tc_loss(x, y, swg, w1, b1, w2, b2):
  out = pl.pallas_call(
      _tc_body,
      grid=(_B // _BM,),
      in_specs=[
          pl.BlockSpec((_BM, _D_IN), lambda i: (i, 0)),
          pl.BlockSpec((_BM, 1), lambda i: (i, 0)),
          pl.BlockSpec((_NW, _BPW), lambda i: (0, 0)),
          pl.BlockSpec((_D_IN, _D_H), lambda i: (0, 0)),
          pl.BlockSpec((1, _D_H), lambda i: (0, 0)),
          pl.BlockSpec((_D_H, 1), lambda i: (0, 0)),
          pl.BlockSpec((1, 1), lambda i: (0, 0)),
      ],
      out_specs=pl.BlockSpec((1, 1), lambda i: (0, 0)),
      out_shape=jax.ShapeDtypeStruct((1, 1), jnp.float32),
      compiler_params=pltpu.CompilerParams(
          dimension_semantics=("arbitrary",),
      ),
  )(x, y, swg, w1, b1, w2, b2)
  return out.reshape(())


def kernel(x, y, index, W1, b1, W2, b2, sample_weights):
  swg = _sc_gather(sample_weights, index)
  return _tc_loss(
      x, y, swg, W1,
      b1.reshape(1, _D_H),
      W2,
      b2.reshape(1, 1),
  )

# --- scband reference (transcript-rebuilt; emitter-appended) ---
"""Pipeline reference for scband-loss-model-65283502899838 (READ-ONLY COPY).

The authoritative reference and input builder live on the scoring server;
editing this copy changes nothing except your own understanding.
"""

import jax, jax.numpy as jnp
import numpy as np

B = 4096
D_IN = 1024
D_H = 1024
D_OUT = 1
SW_SHAPE = 16384


def setup_inputs(seed: int = 0) -> dict:
    key = jax.random.key(seed)
    ks = jax.random.split(key, 8)
    x = jax.random.normal(ks[0], (B, D_IN), dtype=jnp.float32)
    y = jax.random.normal(ks[1], (B, D_OUT), dtype=jnp.float32)
    index = jax.random.randint(ks[2], (B, 1), 0, SW_SHAPE)
    # learned parameters of the wrapped keras Model body (Dense -> relu -> Dense)
    W1 = jax.random.normal(ks[3], (D_IN, D_H), dtype=jnp.float32) * (1.0 / np.sqrt(D_IN))
    b1 = jnp.zeros((D_H,), dtype=jnp.float32)
    W2 = jax.random.normal(ks[4], (D_H, D_OUT), dtype=jnp.float32) * (1.0 / np.sqrt(D_H))
    b2 = jnp.zeros((D_OUT,), dtype=jnp.float32)
    # self.sample_weights = tf.Variable(np.ones((sample_weights_shape,)))
    sample_weights = jnp.ones((SW_SHAPE,), dtype=jnp.float32)
    return {"x": x, "y": y, "index": index, "W1": W1, "b1": b1, "W2": W2, "b2": b2, "sample_weights": sample_weights}


def reference(x, y, index, W1, b1, W2, b2, sample_weights):
    # model forward (wrapped keras Model body)
    h = jax.nn.relu(jnp.dot(x, W1) + b1)
    pred = jnp.dot(h, W2) + b2
    # train_step: tf.gather(self.sample_weights, tf.squeeze(index))
    sw = jnp.take(sample_weights, jnp.squeeze(index), axis=0)
    # keras weighted loss (MSE, reduction=sum_over_batch_size)
    per_sample = jnp.mean(jnp.square(pred - y), axis=-1)
    loss = jnp.sum(per_sample * sw) / jnp.asarray(per_sample.shape[0], jnp.float32)
    return loss

if __name__ == "__main__":
    import jax
    _d = setup_inputs()
    print(jax.jit(kernel)(*tuple(_d.values())))

</pallas_src>

<mosaic_0001>
#map = affine_map<(d0, d1) -> (0)>
#map1 = affine_map<(d0, d1) -> (0, 0)>
module attributes {stable_mosaic.version = 14 : i64} {
  func.func @k(%arg0: i32, %arg1: i32, %arg2: memref<16384xf32, #tpu.memory_space<hbm>>, %arg3: memref<4096x1xi32, #tpu.memory_space<hbm>>, %arg4: memref<32x128xf32, #tpu.memory_space<hbm>>, %arg5: memref<128x1xi32, #tpu.memory_space<vmem>>, %arg6: memref<128xi32, #tpu.memory_space<vmem>>, %arg7: memref<1x128xf32, #tpu.memory_space<vmem>>, %arg8: memref<!tpu.dma_semaphore, #tpu.memory_space<semaphore_mem>>) attributes {dimension_semantics = [#tpu.dimension_semantics<core_parallel>, #tpu.dimension_semantics<subcore_parallel>], iteration_bounds = array<i64: 2, 16>, scalar_prefetch = 0 : i64, scratch_operands = 4 : i64, tpu.core_type = #tpu.core_type<sc_vector_subcore>, window_params = [{transform_indices = #map}, {transform_indices = #map1}, {transform_indices = #map1}]} {
    %mul3A = arith.constant 2 : i32
    %mul3A_0 = arith.muli %arg1, %mul3A : i32
    %add3A = arith.addi %mul3A_0, %arg0 : i32
    %mul3A_1 = arith.constant 128 : i32
    %mul3A_2 = arith.muli %add3A, %mul3A_1 : i32
    "tpu.region"() ({
      %run_scoped3A = tpu.sem_alloc : memref<!tpu.dma_semaphore, #tpu.memory_space<semaphore_mem>>
      %dma_start3A_18 = arith.constant 0 : i32
      %dma_start3A_19 = tpu.memref_slice %arg3[%mul3A_2, %dma_start3A_18] : memref<4096x1xi32, #tpu.memory_space<hbm>> -> memref<128x1xi32, #tpu.memory_space<hbm>>
      %dma_start3A_20 = arith.constant 0 : i32
      %dma_start3A_21 = tpu.memref_slice %arg3[%mul3A_2, %dma_start3A_20] : memref<4096x1xi32, #tpu.memory_space<hbm>> -> memref<128x1xi32, #tpu.memory_space<hbm>>
      tpu.enqueue_dma source(%dma_start3A_21 : memref<128x1xi32, #tpu.memory_space<hbm>>) target(%arg5 : memref<128x1xi32, #tpu.memory_space<vmem>>) target_semaphore(%run_scoped3A : memref<!tpu.dma_semaphore, #tpu.memory_space<semaphore_mem>>)
      %dma_wait3A_22 = arith.constant 0 : i32
      %dma_wait3A_23 = tpu.memref_slice %arg3[%mul3A_2, %dma_wait3A_22] : memref<4096x1xi32, #tpu.memory_space<hbm>> -> memref<128x1xi32, #tpu.memory_space<hbm>>
      %dma_wait3A_24 = arith.constant 0 : i32
      %dma_wait3A_25 = tpu.memref_slice %arg3[%mul3A_2, %dma_wait3A_24] : memref<4096x1xi32, #tpu.memory_space<hbm>> -> memref<128x1xi32, #tpu.memory_space<hbm>>
      tpu.wait_dma2 semaphore(%run_scoped3A : memref<!tpu.dma_semaphore, #tpu.memory_space<semaphore_mem>>) src(%dma_wait3A_25 : memref<128x1xi32, #tpu.memory_space<hbm>>) dst(%arg5 : memref<128x1xi32, #tpu.memory_space<vmem>>)
      tpu.yield
    }) : () -> ()
    %iota3A = tpu.iota {dimensions = array<i32: 0>} : vector<16xi32>
    %broadcast_in_dim3A = arith.constant 0 : i32
    %broadcast_in_dim3A_3 = vector.broadcast %broadcast_in_dim3A : i32 to vector<16xi32>
    %scan3A = arith.constant 0 : i32
    %scan3A_4 = arith.constant 8 : i32
    %scan3A_5 = arith.addi %scan3A, %scan3A_4 : i32
    %scan3A_6 = arith.constant 1 : i32
    scf.for %scan3A_18 = %scan3A to %scan3A_5 step %scan3A_6  : i32 {
      %mul3A_19 = arith.constant 16 : i32
      %mul3A_20 = arith.muli %scan3A_18, %mul3A_19 : i32
      %add3A_21 = arith.constant 0 : i32
      %add3A_22 = arith.addi %add3A_21, %mul3A_20 : i32
      %add3A_23 = vector.broadcast %add3A_22 : i32 to vector<16xi32>
      %add3A_24 = arith.addi %add3A_23, %iota3A : vector<16xi32>
      %gather3A = tpu.vector_load_idx %arg5[%add3A_24, %broadcast_in_dim3A_3] : memref<128x1xi32, #tpu.memory_space<vmem>>[vector<16xi32>, vector<16xi32>], vector<16xi32>,
      %swap3A = arith.index_cast %add3A_22 : i32 to index
      %swap3A_25 = tpu.vector_load %arg6[%swap3A] {strides = array<i32>} : memref<128xi32, #tpu.memory_space<vmem>>, vector<16xi32>,
      tpu.vector_store %arg6[%swap3A], %gather3A {strides = array<i32>} : memref<128xi32, #tpu.memory_space<vmem>>, vector<16xi32>,
    }
    %scan3A_7 = arith.constant 8 : i32
    %dma_start3A = arith.constant 0 : i32
    %dma_start3A_8 = arith.constant 0 : i32
    %dma_start3A_9 = tpu.memref_slice %arg7[%dma_start3A, %dma_start3A_8] : memref<1x128xf32, #tpu.memory_space<vmem>> -> memref<1x128xf32, #tpu.memory_space<vmem>>
    %dma_start3A_10 = tpu.memref_squeeze %dma_start3A_9 : memref<1x128xf32, #tpu.memory_space<vmem>> -> memref<128xf32, #tpu.memory_space<vmem>>
    %dma_start3A_11 = arith.constant 0 : i32
    %dma_start3A_12 = tpu.memref_slice %arg2[%dma_start3A_11] : memref<16384xf32, #tpu.memory_space<hbm>> -> memref<16384xf32, #tpu.memory_space<hbm>>
    tpu.enqueue_indirect_dma source(%dma_start3A_12 : memref<16384xf32, #tpu.memory_space<hbm>>) target(%dma_start3A_10 : memref<128xf32, #tpu.memory_space<vmem>>) offsets(%arg6 : memref<128xi32, #tpu.memory_space<vmem>>) semaphore(%arg8 : memref<!tpu.dma_semaphore, #tpu.memory_space<semaphore_mem>>)
    %dma_wait3A = arith.constant 0 : i32
    %dma_wait3A_13 = arith.constant 0 : i32
    %dma_wait3A_14 = tpu.memref_slice %arg7[%dma_wait3A, %dma_wait3A_13] : memref<1x128xf32, #tpu.memory_space<vmem>> -> memref<1x128xf32, #tpu.memory_space<vmem>>
    %dma_wait3A_15 = tpu.memref_squeeze %dma_wait3A_14 : memref<1x128xf32, #tpu.memory_space<vmem>> -> memref<128xf32, #tpu.memory_space<vmem>>
    %dma_wait3A_16 = arith.constant 0 : i32
    %dma_wait3A_17 = tpu.memref_slice %arg2[%dma_wait3A_16] : memref<16384xf32, #tpu.memory_space<hbm>> -> memref<16384xf32, #tpu.memory_space<hbm>>
    tpu.wait_indirect_dma semaphore(%arg8 : memref<!tpu.dma_semaphore, #tpu.memory_space<semaphore_mem>>) src(%dma_wait3A_17 : memref<16384xf32, #tpu.memory_space<hbm>>) dst(%dma_wait3A_15 : memref<128xf32, #tpu.memory_space<vmem>>)
    "tpu.region"() ({
      %run_scoped3A = tpu.sem_alloc : memref<!tpu.dma_semaphore, #tpu.memory_space<semaphore_mem>>
      %dma_start3A_18 = arith.constant 0 : i32
      %dma_start3A_19 = tpu.memref_slice %arg4[%add3A, %dma_start3A_18] : memref<32x128xf32, #tpu.memory_space<hbm>> -> memref<1x128xf32, #tpu.memory_space<hbm>>
      %dma_start3A_20 = arith.constant 0 : i32
      %dma_start3A_21 = tpu.memref_slice %arg4[%add3A, %dma_start3A_20] : memref<32x128xf32, #tpu.memory_space<hbm>> -> memref<1x128xf32, #tpu.memory_space<hbm>>
      tpu.enqueue_dma source(%arg7 : memref<1x128xf32, #tpu.memory_space<vmem>>) target(%dma_start3A_21 : memref<1x128xf32, #tpu.memory_space<hbm>>) target_semaphore(%run_scoped3A : memref<!tpu.dma_semaphore, #tpu.memory_space<semaphore_mem>>)
      %dma_wait3A_22 = arith.constant 0 : i32
      %dma_wait3A_23 = tpu.memref_slice %arg4[%add3A, %dma_wait3A_22] : memref<32x128xf32, #tpu.memory_space<hbm>> -> memref<1x128xf32, #tpu.memory_space<hbm>>
      %dma_wait3A_24 = arith.constant 0 : i32
      %dma_wait3A_25 = tpu.memref_slice %arg4[%add3A, %dma_wait3A_24] : memref<32x128xf32, #tpu.memory_space<hbm>> -> memref<1x128xf32, #tpu.memory_space<hbm>>
      tpu.wait_dma2 semaphore(%run_scoped3A : memref<!tpu.dma_semaphore, #tpu.memory_space<semaphore_mem>>) src(%arg7 : memref<1x128xf32, #tpu.memory_space<vmem>>) dst(%dma_wait3A_25 : memref<1x128xf32, #tpu.memory_space<hbm>>)
      tpu.yield
    }) : () -> ()
    return
  }
}

module attributes {stable_mosaic.version = 14 : i64} {
  func.func @_tc_body(%arg0: i32, %arg1: memref<1024x1024xf32, #tpu.memory_space<vmem>>, %arg2: memref<1024x1xf32, #tpu.memory_space<vmem>>, %arg3: memref<32x128xf32, #tpu.memory_space<vmem>>, %arg4: memref<1024x1024xf32, #tpu.memory_space<vmem>>, %arg5: memref<1x1024xf32, #tpu.memory_space<vmem>>, %arg6: memref<1024x1xf32, #tpu.memory_space<vmem>>, %arg7: memref<1x1xf32, #tpu.memory_space<vmem>>, %arg8: memref<1x1xf32, #tpu.memory_space<vmem>>) attributes {dimension_semantics = [#tpu.dimension_semantics<arbitrary>], iteration_bounds = array<i64: 4>, scalar_prefetch = 0 : i64, scratch_operands = 0 : i64, tpu.core_type = #tpu.core_type<tc>, window_params = [{transform_indices = @transform_0, window_bounds = array<i64: 1024, 1024>}, {transform_indices = @transform_1, window_bounds = array<i64: 1024, 1>}, {pipeline_mode = #tpu.pipeline_mode<synchronous>, transform_indices = @transform_2, window_bounds = array<i64: 32, 128>}, {pipeline_mode = #tpu.pipeline_mode<synchronous>, transform_indices = @transform_3, window_bounds = array<i64: 1024, 1024>}, {pipeline_mode = #tpu.pipeline_mode<synchronous>, transform_indices = @transform_4, window_bounds = array<i64: 1, 1024>}, {pipeline_mode = #tpu.pipeline_mode<synchronous>, transform_indices = @transform_5, window_bounds = array<i64: 1024, 1>}, {pipeline_mode = #tpu.pipeline_mode<synchronous>, transform_indices = @transform_6, window_bounds = array<i64: 1, 1>}, {pipeline_mode = #tpu.pipeline_mode<synchronous>, transform_indices = @transform_7, window_bounds = array<i64: 1, 1>}]} {
    %get3A = arith.constant 0 : index
    %get3A_0 = arith.constant 0 : index
    %get3A_1 = vector.load %arg1[%get3A, %get3A_0] : memref<1024x1024xf32, #tpu.memory_space<vmem>>, vector<1024x1024xf32>
    %convert_element_type3A = arith.truncf %get3A_1 : vector<1024x1024xf32> to vector<1024x1024xbf16>
    %get3A_2 = arith.constant 0 : index
    %get3A_3 = arith.constant 0 : index
    %get3A_4 = vector.load %arg4[%get3A_2, %get3A_3] : memref<1024x1024xf32, #tpu.memory_space<vmem>>, vector<1024x1024xf32>
    %convert_element_type3A_5 = arith.truncf %get3A_4 : vector<1024x1024xf32> to vector<1024x1024xbf16>
    %dot_general3A = arith.constant dense<0.000000e+00> : vector<1024x1024xf32>
    %dot_general3A_6 = tpu.matmul %convert_element_type3A, %convert_element_type3A_5, %dot_general3A {dimension_numbers = #tpu.dot_dimension_numbers<[1], [0], [0], [1], [0, 0, 1, 1], [], []>, transpose_lhs_hint = false} : vector<1024x1024xbf16>, vector<1024x1024xbf16>, vector<1024x1024xf32> -> vector<1024x1024xf32>
    %get3A_7 = arith.constant 0 : index
    %get3A_8 = arith.constant 0 : index
    %get3A_9 = vector.load %arg5[%get3A_7, %get3A_8] : memref<1x1024xf32, #tpu.memory_space<vmem>>, vector<1x1024xf32>
    %add3A = vector.broadcast %get3A_9 : vector<1x1024xf32> to vector<1024x1024xf32>
    %add3A_10 = arith.addf %dot_general3A_6, %add3A : vector<1024x1024xf32>
    %max3A = arith.constant 0.000000e+00 : f32
    %max3A_11 = vector.broadcast %max3A : f32 to vector<1024x1024xf32>
    %max3A_12 = arith.maximumf %add3A_10, %max3A_11 : vector<1024x1024xf32>
    %convert_element_type3A_13 = arith.truncf %max3A_12 : vector<1024x1024xf32> to vector<1024x1024xbf16>
    %get3A_14 = arith.constant 0 : index
    %get3A_15 = arith.constant 0 : index
    %get3A_16 = vector.load %arg6[%get3A_14, %get3A_15] : memref<1024x1xf32, #tpu.memory_space<vmem>>, vector<1024x1xf32>
    %convert_element_type3A_17 = arith.truncf %get3A_16 : vector<1024x1xf32> to vector<1024x1xbf16>
    %dot_general3A_18 = arith.constant dense<0.000000e+00> : vector<1024x1xf32>
    %dot_general3A_19 = tpu.matmul %convert_element_type3A_13, %convert_element_type3A_17, %dot_general3A_18 {dimension_numbers = #tpu.dot_dimension_numbers<[1], [0], [0], [1], [0, 0, 1, 1], [], []>, transpose_lhs_hint = false} : vector<1024x1024xbf16>, vector<1024x1xbf16>, vector<1024x1xf32> -> vector<1024x1xf32>
    %get3A_20 = arith.constant 0 : index
    %get3A_21 = arith.constant 0 : index
    %get3A_22 = vector.load %arg7[%get3A_20, %get3A_21] : memref<1x1xf32, #tpu.memory_space<vmem>>, vector<1x1xf32>
    %add3A_23 = vector.broadcast %get3A_22 : vector<1x1xf32> to vector<1024x1xf32>
    %add3A_24 = arith.addf %dot_general3A_19, %add3A_23 : vector<1024x1xf32>
    %get3A_25 = arith.constant 0 : index
    %get3A_26 = arith.constant 0 : index
    %get3A_27 = vector.load %arg2[%get3A_25, %get3A_26] : memref<1024x1xf32, #tpu.memory_space<vmem>>, vector<1024x1xf32>
    %sub3A = arith.subf %add3A_24, %get3A_27 : vector<1024x1xf32>
    %mul3A = arith.mulf %sub3A, %sub3A : vector<1024x1xf32>
    %mul3A_28 = arith.constant 8 : i32
    %mul3A_29 = arith.muli %arg0, %mul3A_28 : i32
    %add3A_30 = arith.constant 0 : i32
    %add3A_31 = arith.addi %mul3A_29, %add3A_30 : i32
    %get3A_32 = arith.index_cast %add3A_31 : i32 to index
    %get3A_33 = arith.constant 0 : index
    %get3A_34 = vector.load %arg3[%get3A_32, %get3A_33] : memref<32x128xf32, #tpu.memory_space<vmem>>, vector<1x128xf32>
    %slice3A = vector.extract_strided_slice %mul3A {offsets = [0, 0], sizes = [128, 1], strides = [1, 1]} : vector<1024x1xf32> to vector<128x1xf32>
    %dot_general3A_35 = arith.constant dense<0.000000e+00> : vector<1x1xf32>
    %dot_general3A_36 = tpu.matmul %get3A_34, %slice3A, %dot_general3A_35 {dimension_numbers = #tpu.dot_dimension_numbers<[1], [0], [0], [1], [0, 0, 1, 1], [], []>, transpose_lhs_hint = false} : vector<1x128xf32>, vector<128x1xf32>, vector<1x1xf32> -> vector<1x1xf32>
    %mul3A_37 = arith.constant 8 : i32
    %mul3A_38 = arith.muli %arg0, %mul3A_37 : i32
    %add3A_39 = arith.constant 1 : i32
    %add3A_40 = arith.addi %mul3A_38, %add3A_39 : i32
    %get3A_41 = arith.index_cast %add3A_40 : i32 to index
    %get3A_42 = arith.constant 0 : index
    %get3A_43 = vector.load %arg3[%get3A_41, %get3A_42] : memref<32x128xf32, #tpu.memory_space<vmem>>, vector<1x128xf32>
    %slice3A_44 = vector.extract_strided_slice %mul3A {offsets = [128, 0], sizes = [128, 1], strides = [1, 1]} : vector<1024x1xf32> to vector<128x1xf32>
    %dot_general3A_45 = arith.constant dense<0.000000e+00> : vector<1x1xf32>
    %dot_general3A_46 = tpu.matmul %get3A_43, %slice3A_44, %dot_general3A_45 {dimension_numbers = #tpu.dot_dimension_numbers<[1], [0], [0], [1], [0, 0, 1, 1], [], []>, transpose_lhs_hint = false} : vector<1x128xf32>, vector<128x1xf32>, vector<1x1xf32> -> vector<1x1xf32>
    %mul3A_47 = arith.constant 8 : i32
    %mul3A_48 = arith.muli %arg0, %mul3A_47 : i32
    %add3A_49 = arith.constant 2 : i32
    %add3A_50 = arith.addi %mul3A_48, %add3A_49 : i32
    %get3A_51 = arith.index_cast %add3A_50 : i32 to index
    %get3A_52 = arith.constant 0 : index
    %get3A_53 = vector.load %arg3[%get3A_51, %get3A_52] : memref<32x128xf32, #tpu.memory_space<vmem>>, vector<1x128xf32>
    %slice3A_54 = vector.extract_strided_slice %mul3A {offsets = [256, 0], sizes = [128, 1], strides = [1, 1]} : vector<1024x1xf32> to vector<128x1xf32>
    %dot_general3A_55 = arith.constant dense<0.000000e+00> : vector<1x1xf32>
    %dot_general3A_56 = tpu.matmul %get3A_53, %slice3A_54, %dot_general3A_55 {dimension_numbers = #tpu.dot_dimension_numbers<[1], [0], [0], [1], [0, 0, 1, 1], [], []>, transpose_lhs_hint = false} : vector<1x128xf32>, vector<128x1xf32>, vector<1x1xf32> -> vector<1x1xf32>
    %mul3A_57 = arith.constant 8 : i32
    %mul3A_58 = arith.muli %arg0, %mul3A_57 : i32
    %add3A_59 = arith.constant 3 : i32
    %add3A_60 = arith.addi %mul3A_58, %add3A_59 : i32
    %get3A_61 = arith.index_cast %add3A_60 : i32 to index
    %get3A_62 = arith.constant 0 : index
    %get3A_63 = vector.load %arg3[%get3A_61, %get3A_62] : memref<32x128xf32, #tpu.memory_space<vmem>>, vector<1x128xf32>
    %slice3A_64 = vector.extract_strided_slice %mul3A {offsets = [384, 0], sizes = [128, 1], strides = [1, 1]} : vector<1024x1xf32> to vector<128x1xf32>
    %dot_general3A_65 = arith.constant dense<0.000000e+00> : vector<1x1xf32>
    %dot_general3A_66 = tpu.matmul %get3A_63, %slice3A_64, %dot_general3A_65 {dimension_numbers = #tpu.dot_dimension_numbers<[1], [0], [0], [1], [0, 0, 1, 1], [], []>, transpose_lhs_hint = false} : vector<1x128xf32>, vector<128x1xf32>, vector<1x1xf32> -> vector<1x1xf32>
    %mul3A_67 = arith.constant 8 : i32
    %mul3A_68 = arith.muli %arg0, %mul3A_67 : i32
    %add3A_69 = arith.constant 4 : i32
    %add3A_70 = arith.addi %mul3A_68, %add3A_69 : i32
    %get3A_71 = arith.index_cast %add3A_70 : i32 to index
    %get3A_72 = arith.constant 0 : index
    %get3A_73 = vector.load %arg3[%get3A_71, %get3A_72] : memref<32x128xf32, #tpu.memory_space<vmem>>, vector<1x128xf32>
    %slice3A_74 = vector.extract_strided_slice %mul3A {offsets = [512, 0], sizes = [128, 1], strides = [1, 1]} : vector<1024x1xf32> to vector<128x1xf32>
    %dot_general3A_75 = arith.constant dense<0.000000e+00> : vector<1x1xf32>
    %dot_general3A_76 = tpu.matmul %get3A_73, %slice3A_74, %dot_general3A_75 {dimension_numbers = #tpu.dot_dimension_numbers<[1], [0], [0], [1], [0, 0, 1, 1], [], []>, transpose_lhs_hint = false} : vector<1x128xf32>, vector<128x1xf32>, vector<1x1xf32> -> vector<1x1xf32>
    %mul3A_77 = arith.constant 8 : i32
    %mul3A_78 = arith.muli %arg0, %mul3A_77 : i32
    %add3A_79 = arith.constant 5 : i32
    %add3A_80 = arith.addi %mul3A_78, %add3A_79 : i32
    %get3A_81 = arith.index_cast %add3A_80 : i32 to index
    %get3A_82 = arith.constant 0 : index
    %get3A_83 = vector.load %arg3[%get3A_81, %get3A_82] : memref<32x128xf32, #tpu.memory_space<vmem>>, vector<1x128xf32>
    %slice3A_84 = vector.extract_strided_slice %mul3A {offsets = [640, 0], sizes = [128, 1], strides = [1, 1]} : vector<1024x1xf32> to vector<128x1xf32>
    %dot_general3A_85 = arith.constant dense<0.000000e+00> : vector<1x1xf32>
    %dot_general3A_86 = tpu.matmul %get3A_83, %slice3A_84, %dot_general3A_85 {dimension_numbers = #tpu.dot_dimension_numbers<[1], [0], [0], [1], [0, 0, 1, 1], [], []>, transpose_lhs_hint = false} : vector<1x128xf32>, vector<128x1xf32>, vector<1x1xf32> -> vector<1x1xf32>
    %mul3A_87 = arith.constant 8 : i32
    %mul3A_88 = arith.muli %arg0, %mul3A_87 : i32
    %add3A_89 = arith.constant 6 : i32
    %add3A_90 = arith.addi %mul3A_88, %add3A_89 : i32
    %get3A_91 = arith.index_cast %add3A_90 : i32 to index
    %get3A_92 = arith.constant 0 : index
    %get3A_93 = vector.load %arg3[%get3A_91, %get3A_92] : memref<32x128xf32, #tpu.memory_space<vmem>>, vector<1x128xf32>
    %slice3A_94 = vector.extract_strided_slice %mul3A {offsets = [768, 0], sizes = [128, 1], strides = [1, 1]} : vector<1024x1xf32> to vector<128x1xf32>
    %dot_general3A_95 = arith.constant dense<0.000000e+00> : vector<1x1xf32>
    %dot_general3A_96 = tpu.matmul %get3A_93, %slice3A_94, %dot_general3A_95 {dimension_numbers = #tpu.dot_dimension_numbers<[1], [0], [0], [1], [0, 0, 1, 1], [], []>, transpose_lhs_hint = false} : vector<1x128xf32>, vector<128x1xf32>, vector<1x1xf32> -> vector<1x1xf32>
    %mul3A_97 = arith.constant 8 : i32
    %mul3A_98 = arith.muli %arg0, %mul3A_97 : i32
    %add3A_99 = arith.constant 7 : i32
    %add3A_100 = arith.addi %mul3A_98, %add3A_99 : i32
    %get3A_101 = arith.index_cast %add3A_100 : i32 to index
    %get3A_102 = arith.constant 0 : index
    %get3A_103 = vector.load %arg3[%get3A_101, %get3A_102] : memref<32x128xf32, #tpu.memory_space<vmem>>, vector<1x128xf32>
    %slice3A_104 = vector.extract_strided_slice %mul3A {offsets = [896, 0], sizes = [128, 1], strides = [1, 1]} : vector<1024x1xf32> to vector<128x1xf32>
    %dot_general3A_105 = arith.constant dense<0.000000e+00> : vector<1x1xf32>
    %dot_general3A_106 = tpu.matmul %get3A_103, %slice3A_104, %dot_general3A_105 {dimension_numbers = #tpu.dot_dimension_numbers<[1], [0], [0], [1], [0, 0, 1, 1], [], []>, transpose_lhs_hint = false} : vector<1x128xf32>, vector<128x1xf32>, vector<1x1xf32> -> vector<1x1xf32>
    %add3A_107 = arith.addf %dot_general3A_36, %dot_general3A_46 : vector<1x1xf32>
    %add3A_108 = arith.addf %dot_general3A_56, %dot_general3A_66 : vector<1x1xf32>
    %add3A_109 = arith.addf %dot_general3A_76, %dot_general3A_86 : vector<1x1xf32>
    %add3A_110 = arith.addf %dot_general3A_96, %dot_general3A_106 : vector<1x1xf32>
    %add3A_111 = arith.addf %add3A_107, %add3A_108 : vector<1x1xf32>
    %add3A_112 = arith.addf %add3A_109, %add3A_110 : vector<1x1xf32>
    %add3A_113 = arith.addf %add3A_111, %add3A_112 : vector<1x1xf32>
    %mul3A_114 = arith.constant 2.44140625E-4 : f32
    %mul3A_115 = vector.broadcast %mul3A_114 : f32 to vector<1x1xf32>
    %mul3A_116 = arith.mulf %add3A_113, %mul3A_115 : vector<1x1xf32>
    %eq3A = arith.constant 0 : i32
    %eq3A_117 = arith.cmpi eq, %arg0, %eq3A : i32
    %convert_element_type3A_118 = arith.extui %eq3A_117 : i1 to i32
    %cond3A = arith.constant 0 : i32
    %cond3A_119 = arith.cmpi ne, %convert_element_type3A_118, %cond3A : i32
    scf.if %cond3A_119 {
      %broadcast_in_dim3A = arith.constant 0.000000e+00 : f32
      %broadcast_in_dim3A_126 = vector.broadcast %broadcast_in_dim3A : f32 to vector<1x1xf32>
      %swap3A_127 = arith.constant 0 : index
      %swap3A_128 = arith.constant 0 : index
      %swap3A_129 = vector.load %arg8[%swap3A_127, %swap3A_128] : memref<1x1xf32, #tpu.memory_space<vmem>>, vector<1x1xf32>
      tpu.vector_store %arg8[%swap3A_127, %swap3A_128], %broadcast_in_dim3A_126 {strides = array<i32>} : memref<1x1xf32, #tpu.memory_space<vmem>>, vector<1x1xf32>,
    } else {
    }
    %get3A_120 = arith.constant 0 : index
    %get3A_121 = arith.constant 0 : index
    %get3A_122 = vector.load %arg8[%get3A_120, %get3A_121] : memref<1x1xf32, #tpu.memory_space<vmem>>, vector<1x1xf32>
    %add3A_123 = arith.addf %get3A_122, %mul3A_116 : vector<1x1xf32>
    %swap3A = arith.constant 0 : index
    %swap3A_124 = arith.constant 0 : index
    %swap3A_125 = vector.load %arg8[%swap3A, %swap3A_124] : memref<1x1xf32, #tpu.memory_space<vmem>>, vector<1x1xf32>
    tpu.vector_store %arg8[%swap3A, %swap3A_124], %add3A_123 {strides = array<i32>} : memref<1x1xf32, #tpu.memory_space<vmem>>, vector<1x1xf32>,
    return
  }
  func.func @transform_0(%arg0: i32) -> (i32, i32) {
    %c0_i32 = arith.constant 0 : i32
    %c0_i32_0 = arith.constant 0 : i32
    return %arg0, %c0_i32 : i32, i32
  }
  func.func @transform_1(%arg0: i32) -> (i32, i32) {
    %c0_i32 = arith.constant 0 : i32
    %c0_i32_0 = arith.constant 0 : i32
    return %arg0, %c0_i32 : i32, i32
  }
  func.func @transform_2(%arg0: i32) -> (i32, i32) {
    %c0_i32 = arith.constant 0 : i32
    %c0_i32_0 = arith.constant 0 : i32
    %c0_i32_1 = arith.constant 0 : i32
    return %c0_i32, %c0_i32_0 : i32, i32
  }
  func.func @transform_3(%arg0: i32) -> (i32, i32) {
    %c0_i32 = arith.constant 0 : i32
    %c0_i32_0 = arith.constant 0 : i32
    %c0_i32_1 = arith.constant 0 : i32
    return %c0_i32, %c0_i32_0 : i32, i32
  }
  func.func @transform_4(%arg0: i32) -> (i32, i32) {
    %c0_i32 = arith.constant 0 : i32
    %c0_i32_0 = arith.constant 0 : i32
    %c0_i32_1 = arith.constant 0 : i32
    return %c0_i32, %c0_i32_0 : i32, i32
  }
  func.func @transform_5(%arg0: i32) -> (i32, i32) {
    %c0_i32 = arith.constant 0 : i32
    %c0_i32_0 = arith.constant 0 : i32
    %c0_i32_1 = arith.constant 0 : i32
    return %c0_i32, %c0_i32_0 : i32, i32
  }
  func.func @transform_6(%arg0: i32) -> (i32, i32) {
    %c0_i32 = arith.constant 0 : i32
    %c0_i32_0 = arith.constant 0 : i32
    %c0_i32_1 = arith.constant 0 : i32
    return %c0_i32, %c0_i32_0 : i32, i32
  }
  func.func @transform_7(%arg0: i32) -> (i32, i32) {
    %c0_i32 = arith.constant 0 : i32
    %c0_i32_0 = arith.constant 0 : i32
    %c0_i32_1 = arith.constant 0 : i32
    return %c0_i32, %c0_i32_0 : i32, i32
  }
}

</mosaic_0001>

<sc_bundles>
// kernel: kernel.4.cloned.1.call-start
scs
__scs_entry_jumppad:
0x0: {  	(pc) =	sbr.rel $0x88, $3  }
0x1: {  	(tag) =	ssettag $0x0;
	lr =	simm.s32 $0x1  }
0x2: {  	[smem:$0x3F99] =	sst lr;
	_ =	strace $0xD0000000  }
0x3: {  	_ = 	snop  }
0x4: {  	_ = 	snop  }
0x5: {  	_ = 	snop  }
0x6: {  	_ = 	snop  }
0x7: {  	_ = 	snop  }
__scs_overlays_trampoline_lowered:
0x8: {  	[smem:$0x3FA8] =	sst s0  }
0x9: {  	[smem:$0x3FA9] =	sst s1  }
0xa: {  	[smem:$0x3FAA] =	sst s2  }
0xb: {  	[smem:$0x3FAB] =	sst s3  }
0xc: {  	[smem:$0x3FAC] =	sst s4  }
0xd: {  	[smem:$0x3FAD] =	sst s5  }
0xe: {  	[smem:$0x3FAE] =	sst s6  }
0xf: {  	[smem:$0x3FAF] =	sst s7  }
0x10: {  	[smem:$0x3FB0] =	sst s8  }
0x11: {  	[smem:$0x3FB1] =	sst s9;
	s0 =	simm.s32 @!p0 $0x0  }
0x12: {  	s1 =	sld [smem:$0x3F97];
	s0 =	simm.s32 @p0 $0x1  }
0x13: {  	[smem:$0x3FB2] =	sst s0;
	s0 =	simm.s32 @!p1 $0x0  }
0x14: {  	s2 =	sld [smem:$0x3F96];
	s0 =	simm.s32 @p1 $0x1  }
0x15: {  	[smem:$0x3FB3] =	sst s0;
	s0 =	simm.s32 @!p2 $0x0  }
0x16: {  	s3 =	sld [smem:$0x3FDB];
	s0 =	simm.s32 @p2 $0x1  }
0x17: {  	s4 =	simm.s32 $0x1BF5;
	[smem:$0x3FB5] =	sst s0  }
0x18: {  	s0 =	sld [smem:$0x3F98];
	_ =	swait.ge [sflag:s4], $0x0  }
0x19: {  	s7 =	sld [smem:$0x3F99]  }
0x1a: {  	s8 =	sadd.s32 $0xFFFFE003, lr  }
0x1b: {  	s9 =	sadd.s32 $0xFFFFFEF7, lr;
	s5 =	simm.s32 $0xFFFFFFFF;
	p2 =	slt.u32 s8, $0xFFFFF086  }
0x1c: {  	p1 =	slt.u32 s9, $0xF7A;
	s5 =	simm.s32 @!p2 $0x0  }
0x1d: {  	s5 =	simm.s32 @p1 $0x1;
	p0 =	seq.s32 s7, s2  }
0x1e: {  	s7 =	smul.u32 @!p0 $0xF7A, s2;
	p2 =	seq.s32 @!p0 s5, $0x0  }
0x1f: {  	s9 =	smul.u32 $0xF7A, s1;
	s8 =	simm.s32 @!p0 $0x1BF5;
	p2 =	por !p2, p0  }
0x20: {  	[sflag:s8] =	ssyncset.s32 @!p0 $0xFFFFF086;
	s6 =	sadd.s32 @!p0 s3, s7;
	s7 =	simm.s32 @!p0 $0x108  }
0x21: {  	s3 =	sadd.s32 s3, s9;
	s6 =	sadd.s32 @!p0 $0x88, s6;
	s7 =	simm.s32 @p2 $0x1082  }
0x22: {  	[simem:s7], [sflag:s8] =	dma.local @!p0 [hbm:s6], $0xF7A  }
0x23: {  	s9 =	sor.u32 $0xD0000000, s2;
	s6 =	simm.s32 $0x108;
	_ =	swait.ge @!p0 [sflag:s8], $0x0  }
0x24: {  	s3 =	sadd.s32 $0x88, s3;
	s6 =	simm.s32 @!p1 $0x1082;
	[sflag:s4] =	ssyncset.s32 $0xFFFFF086  }
0x25: {  	[simem:s6], [sflag:s4] =	dma.local [hbm:s3], $0xF7A  }
0x26: {  	[smem:$0x3F99] =	sst s1;
	(tag) =	ssettag s2;
	_ =	strace s9  }
0x27: {  	s1 =	sld [smem:$0x3FA9]  }
0x28: {  	s2 =	sld [smem:$0x3FAA]  }
0x29: {  	s4 =	sld [smem:$0x3FAC]  }
0x2a: {  	p0 =	seq.s32 s5, $0x0;
	s5 =	sld [smem:$0x3FAD]  }
0x2b: {  	s6 =	sld [smem:$0x3FAE]  }
0x2c: {  	s7 =	sld [smem:$0x3FAF]  }
0x2d: {  	s3 =	simm.s32 $0x108;
	s8 =	sld [smem:$0x3FB0]  }
0x2e: {  	s3 =	simm.s32 @!p0 $0x1082;
	s9 =	sld [smem:$0x3FB1]  }
0x2f: {  	lr =	sadd.s32 s0, s3;
	s0 =	sld [smem:$0x3FA8]  }
0x30: {  	s3 =	sld [smem:$0x3FAB]  }
0x31: {  	[smem:$0x3FB4] =	sst s10  }
0x32: {  	s10 =	sld [smem:$0x3FB2];
	_ =	sdelay $0x3  }
0x33: {  	p0 =	seq.s32 s10, $0x1;
	s10 =	sld [smem:$0x3FB4];
	_ =	sdelay $0x3  }
0x34: {  	[smem:$0x3FB4] =	sst s10  }
0x35: {  	s10 =	sld [smem:$0x3FB3];
	_ =	sdelay $0x3  }
0x36: {  	p1 =	seq.s32 s10, $0x1;
	s10 =	sld [smem:$0x3FB4];
	_ =	sdelay $0x3  }
0x37: {  	[smem:$0x3FB4] =	sst s10  }
0x38: {  	s10 =	sld [smem:$0x3FB5]  }
0x39: {  	_ = 	snop;
	(pc) =	sbr.ind lr, $3  }
0x3a: {  	_ = 	snop  }
0x3b: {  	_ = 	snop  }
0x3c: {  	p2 =	seq.s32 s10, $0x1;
	s10 =	sld [smem:$0x3FB4]  }
0x3d: {  	_ =	shalt  }
0x3e: {  	_ =	shalt  }
0x3f: {  	_ =	shalt  }
0x40: {  	_ =	shalt  }
0x41: {  	_ =	shalt  }
0x42: {  	_ =	shalt  }
0x43: {  	_ =	shalt  }
0x44: {  	_ =	shalt  }
0x45: {  	_ =	shalt  }
0x46: {  	_ =	shalt  }
0x47: {  	_ =	shalt  }
0x48: {  	_ =	shalt  }
0x49: {  	_ =	shalt  }
0x4a: {  	_ =	shalt  }
0x4b: {  	_ =	shalt  }
0x4c: {  	_ =	shalt  }
0x4d: {  	_ =	shalt  }
0x4e: {  	_ =	shalt  }
0x4f: {  	_ =	shalt  }
0x50: {  	_ =	shalt  }
0x51: {  	_ =	shalt  }
0x52: {  	_ =	shalt  }
0x53: {  	_ =	shalt  }
0x54: {  	_ =	shalt  }
0x55: {  	_ =	shalt  }
0x56: {  	_ =	shalt  }
0x57: {  	_ =	shalt  }
0x58: {  	_ =	shalt  }
0x59: {  	_ =	shalt  }
0x5a: {  	_ =	shalt  }
0x5b: {  	_ =	shalt  }
0x5c: {  	_ =	shalt  }
0x5d: {  	_ =	shalt  }
0x5e: {  	_ =	shalt  }
0x5f: {  	_ =	shalt  }
0x60: {  	_ =	shalt  }
0x61: {  	_ =	shalt  }
0x62: {  	_ =	shalt  }
0x63: {  	_ =	shalt  }
0x64: {  	_ =	shalt  }
0x65: {  	_ =	shalt  }
0x66: {  	_ =	shalt  }
0x67: {  	_ =	shalt  }
0x68: {  	_ =	shalt  }
0x69: {  	_ =	shalt  }
0x6a: {  	_ =	shalt  }
0x6b: {  	_ =	shalt  }
0x6c: {  	_ =	shalt  }
0x6d: {  	_ =	shalt  }
0x6e: {  	_ =	shalt  }
0x6f: {  	_ =	shalt  }
0x70: {  	_ =	shalt  }
0x71: {  	_ =	shalt  }
0x72: {  	_ =	shalt  }
0x73: {  	_ =	shalt  }
0x74: {  	_ =	shalt  }
0x75: {  	_ =	shalt  }
0x76: {  	_ =	shalt  }
0x77: {  	_ =	shalt  }
0x78: {  	_ =	shalt  }
0x79: {  	_ =	shalt  }
0x7a: {  	_ =	shalt  }
0x7b: {  	_ =	shalt  }
0x7c: {  	_ =	shalt  }
0x7d: {  	_ =	shalt  }
0x7e: {  	_ =	shalt  }
0x7f: {  	_ =	shalt  }
0x80: {  	_ =	shalt  }
0x81: {  	_ =	shalt  }
0x82: {  	_ =	shalt  }
0x83: {  	_ =	shalt  }
0x84: {  	_ =	shalt  }
0x85: {  	_ =	shalt  }
0x86: {  	_ =	shalt  }
0x87: {  	_ =	shalt  }
.Lfunc_end0:
.L_simem_size_0:
called_computation_lowered:
.L_overlay_start_0:
0x88: {  	s2 =	sld [smem:$0x3FD9]  }
0x89: {  	s3 =	sld [smem:$0x3FFE];
	_ =	sdelay $0x1  }
0x8a: {  	s1 =	srdreg.scid  }
0x8b: {  	s0 =	sand.u32 $0x1, s1  }
0x8c: {  	s17 =	sshll.u32 s0, $0xA;
	s2 =	sadd.s32 s3, s2  }
0x8d: {  	s2 =	sadd.s32 s2, s17  }
0x8e: {  	[smem:$0x3FC0] =	sst s2  }
0x8f: {  	_ = 	snop  }
0x90: {  	s2 =	sld [smem:$0x3FC2];
	(tm) =	ssettm $0x1  }
0x91: {  	s18 =	sld [smem:$0x3FFB];
	_ =	sdelay $0x3  }
0x92: {  	_ =	strace s18  }
0x93: {  	s3 =	sld [smem:$0x3FFC];
	_ =	sdelay $0x3  }
0x94: {  	_ =	strace s3  }
0x95: {  	s3 =	sld [smem:$0x3FFD];
	_ =	sdelay $0x3  }
0x96: {  	_ =	strace s3  }
0x97: {  	_ =	strace $0x8FFFFFFF  }
0x98: {  	s19 =	sld [smem:$0x3FDB];
	_ =	sdelay $0x1  }
0x99: {  	s4 =	simm.s32 $_scs_section_size  }
0x9a: {  	s5 =	simm.s32 $_size__tile_overlayer_lowered;
	s6 =	simm.s32 $_tile_overlayer_lowered  }
0x9b: {  	s22 =	simm.s32 $0x1BFF;
	s21 =	sshll.u32 s6, $0x1;
	s3 =	sadd.s32 s4, s19  }
0x9c: {  	s7 =	simm.s32 $0x0;
	s20 =	sshll.u32 s5, $0x1;
	s5 =	sadd.s32 s21, s3  }
0x9d: {  	[timem:s7], [sflag:s22] =	dma.local [hbm:s5], s20  }
0x9e: {  	_ =	swait.ge [sflag:s22], s20  }
0x9f: {  	s4 =	ssub.s32 $0x0, s20;
	[sflag:s22] =	ssyncset.done $0x0  }
0xa0: {  	[sflag:s22] =	ssyncadd.s32 s4;
	_ =	sdelay $0x1  }
0xa1: {  	s23 =	simm.s32 $0x1B8B  }
0xa2: {  	_ =	swait.ge [sflag:s23], $0x1  }
0xa3: {  	[sflag:s23] =	ssyncset.done $0x0  }
0xa4: {  	s25 =	simm.s32 $0x1B8E;
	s24 =	sld [smem:$0x3FFE];
	[sflag:s23] =	ssyncadd.s32 $0xFFFFFFFF  }
0xa5: {  	s26 =	simm.s32 $execute0_lowered;
	[smem:$0x3FD2] =	sst s25  }
0xa6: {  	s5 =	sshll.u32 s26, $0x1;
	_ =	strace $0x80000046;
	[dreg:$0x1] =	wrdreg $0xFFFFFFFF  }
0xa7: {  	s28 =	simm.s32 $_size_execute0_lowered;
	s3 =	sadd.s32 s3, s5;
	[dreg:$0x0] =	wrdreg $0x0  }
0xa8: {  	s5 =	sshll.u32 s28, $0x1;
	[dreg:$0x2] =	wrdreg s3  }
0xa9: {  	[dreg:$0x3] =	wrdreg s5  }
0xaa: {  	[dreg:$0x4] =	wrdreg $0xC0  }
0xab: {  	_ =	task [dreg:s7], $0x5FFFF  }
0xac: {  	[dreg:$0x1] =	wrdreg $0xFFFFFFFF  }
0xad: {  	[dreg:$0x0] =	wrdreg $0x60  }
0xae: {  	[dreg:$0x2] =	wrdreg s2  }
0xaf: {  	[dreg:$0x3] =	wrdreg s24  }
0xb0: {  	[dreg:$0x4] =	wrdreg $0x9  }
0xb1: {  	_ =	task.clear_ibuf [dreg:s7], $0x5FFFF;
	_ =	strace $0x90000046  }
0xb2: {  	s29 =	simm.s32 $0x9;
	_ =	strace $0x80000048  }
0xb3: {  	_ =	swait.ge [sflag:s29], $0x1  }
0xb4: {  	[sflag:s29] =	ssyncadd.s32 $0xFFFFFFFF  }
0xb5: {  	_ =	strace $0x90000048  }
0xb6: {  	_ =	sfence  }
0xb7: {  	s30 =	sld [smem:$0x0];
	_ =	sdelay $0x2  }
0xb8: {  	s31 =	sshll.u32 s1, $0xD;
	s1 =	sshrl.u32 s1, $0x2  }
0xb9: {  	s3 =	sand.u32 $0x4000, s31;
	s1 =	sadd.s32 s1, s30  }
0xba: {  	s0 =	sor.u32 s3, s0;
	s1 =	sshll.u32 s1, $0x11  }
0xbb: {  	s0 =	sor.u32 s1, s0  }
0xbc: {  	s0 =	sadd.s32 $0x8F2B, s0  }
0xbd: {  	[sflag:s0] =	ssyncadd.remote.s32 $0x1  }
0xbe: {  	_ =	sfence.sel $0xFFFF  }
0xbf: {  	[dreg:$0x0] =	wrdreg $0xFFFFFFFF;
	(pc) =	sbr.abs _section_cstart, $3  }
0xc0: {  	[dreg:$0x1] =	wrdreg $0xFFFFFFFF  }
0xc1: {  	_ =	task.clear_ibuf [dreg:s7], $0x2FFFF;
	_ =	strace $0x9FFFFFFF  }
0xc2: {  	(tm) =	ssettm $0x7FFFFFFF  }
0xc3: {  	_ =	shalt  }
tec
execute0_lowered:
.L_overlay_start_1:
0x0: {  	(tag) =	ssettag $0x1  }
0x1: {  	s1 =	srdreg.scid;
	s0 =	stileid.u32  }
0x2: {  	s2 =	rddreg [dreg:$0x0];
	s6 =	sand.u32 $0x1, s1;
	s30 =	sshll.u32 s0, $0x1  }
0x3: {  	s10 =	rddreg [dreg:$0x1];
	s11 =	sor.u32 s6, s30  }
0x4: {  	s3 =	simm.s32 $0x0;
	v0 =	vlaneseq.u32;
	s1 =	rddreg [dreg:$0x2];
	s4 =	sshll.u32 s11, $0xB  }
0x5: {  	[smem:$0x7FF] =	sst s3;
	v0 =	vmul.u32 $0x80, v0;
	s4 =	sadd.s32 s4, s10  }
0x6: {  	_ =	strace $0x80000047;
	s5 =	sadd.s32 $0xE00, s4;
	s4 =	simm.s32 $0x2  }
0x7: {  	[tilespmem:s3], [sflag:$0x2] =	stream.linear.gather [hbm4b:s5+s3], $0x4000, $0x38;
	[tilespmem:$0x4100] =	vst v63  }
0x8: {  	_ =	swait.ge [sflag:s4], $0x4000  }
0x9: {  	[sflag:s4] =	ssyncset.done $0x0  }
0xa: {  	[sflag:s4] =	ssyncadd.s32 $0xFFFFC000  }
0xb: {  	v2 =	vld.idx.msk [tilespmem:v0+s3+$0x0], $0xffff  }
0xc: {  	v1 =	vor.u32 $0x800, v0;
	_ =	sdelay $0x3  }
0xd: {  	[tilespmem:$0x4000] =	vst v2  }
0xe: {  	v3 =	vld.idx.msk [tilespmem:v1+s3+$0x0], $0xffff  }
0xf: {  	v2 =	vor.u32 $0x1000, v0;
	_ =	sdelay $0x3  }
0x10: {  	[tilespmem:$0x4010] =	vst v3  }
0x11: {  	v4 =	vld.idx.msk [tilespmem:v2+s3+$0x0], $0xffff  }
0x12: {  	v3 =	vor.u32 $0x1800, v0;
	_ =	sdelay $0x3  }
0x13: {  	[tilespmem:$0x4020] =	vst v4  }
0x14: {  	v5 =	vld.idx.msk [tilespmem:v3+s3+$0x0], $0xffff  }
0x15: {  	v4 =	vor.u32 $0x2000, v0;
	_ =	sdelay $0x3  }
0x16: {  	[tilespmem:$0x4030] =	vst v5  }
0x17: {  	v6 =	vld.idx.msk [tilespmem:v4+s3+$0x0], $0xffff  }
0x18: {  	v5 =	vor.u32 $0x2800, v0;
	_ =	sdelay $0x3  }
0x19: {  	[tilespmem:$0x4040] =	vst v6  }
0x1a: {  	v7 =	vld.idx.msk [tilespmem:v5+s3+$0x0], $0xffff  }
0x1b: {  	v6 =	vor.u32 $0x3000, v0;
	_ =	sdelay $0x3  }
0x1c: {  	[tilespmem:$0x4050] =	vst v7  }
0x1d: {  	v8 =	vld.idx.msk [tilespmem:v6+s3+$0x0], $0xffff  }
0x1e: {  	v7 =	vor.u32 $0x3800, v0;
	_ =	sdelay $0x3  }
0x1f: {  	[tilespmem:$0x4060] =	vst v8  }
0x20: {  	v8 =	vld.idx.msk [tilespmem:v7+s3+$0x0], $0xffff;
	_ =	sdelay $0x1  }
0x21: {  	s12 =	ssub.s32 $0x2, s6  }
0x22: {  	s7 =	simm.s32 $0x4000;
	s8 =	simm.s32 $0x4080;
	s13 =	sshrl.u32 s12, $0x1  }
0x23: {  	s9 =	simm.s32 $0x1;
	s11 =	sshll.u32 s11, $0x4;
	s31 =	ssub.s32 s12, s13  }
0x24: {  	s6 =	simm.s32 $0x80;
	s10 =	sadd.s32 s11, s10;
	s11 =	smax.u32 s31, $0x1;
	[tilespmem:$0x4070] =	vst v8  }
0x25: {  	[tilespmem:s8], [sflag:$0x1] =	stream.indirect.gather [hbm4b:s2+s6], $0x1, s7, s6, $0xb8;
	[tilespmem:$0x4100] =	vst v63  }
0x26: {  	p0 =	sne.s32 s11, $0x1;
	_ =	swait.ge [sflag:s9], $0x80  }
.Ltmp0:
0x27: {  	[sflag:s9] =	ssyncset.done $0x0;
	(pc) =	sbr.rel @!p0 .LBB2_2-.Ltmp0, $4  }
0x28: {  	s10 =	sadd.s32 $0x10E00, s10;
	[sflag:s9] =	ssyncadd.s32 $0xFFFFFF80  }
0x29: {  	[hbm4b:s10+s3] =	stream.linear.scatter [tilespmem:s8], [sflag:$0x2], $0x80, $0x38;
	[tilespmem:$0x4100] =	vst v63  }
0x2a: {  	_ =	swait.ge [sflag:s4], $0x80  }
0x2b: {  	s11 =	sadd.s32 $0xFFFFFFFF, s11;
	[sflag:s4] =	ssyncset.done $0x0  }
.LBB2_1:
0x2c: {  	p0 =	sne.s32 s11, $0x1;
	s11 =	sadd.s32 $0xFFFFFFFF, s11;
	[sflag:s4] =	ssyncadd.s32 $0xFFFFFF80  }
0x2d: {  	[tilespmem:s3], [sflag:$0x2] =	stream.linear.gather [hbm4b:s5+s3], $0x4000, $0x38;
	[tilespmem:$0x4100] =	vst v63  }
0x2e: {  	_ =	swait.ge [sflag:s4], $0x4000  }
0x2f: {  	[sflag:s4] =	ssyncset.done $0x0  }
0x30: {  	[sflag:s4] =	ssyncadd.s32 $0xFFFFC000  }
0x31: {  	v8 =	vld.idx.msk [tilespmem:v0+s3+$0x0], $0xffff;
	_ =	sdelay $0x5  }
0x32: {  	[tilespmem:$0x4000] =	vst v8  }
0x33: {  	v8 =	vld.idx.msk [tilespmem:v1+s3+$0x0], $0xffff;
	_ =	sdelay $0x5  }
0x34: {  	[tilespmem:$0x4010] =	vst v8  }
0x35: {  	v8 =	vld.idx.msk [tilespmem:v2+s3+$0x0], $0xffff;
	_ =	sdelay $0x5  }
0x36: {  	[tilespmem:$0x4020] =	vst v8  }
0x37: {  	v8 =	vld.idx.msk [tilespmem:v3+s3+$0x0], $0xffff;
	_ =	sdelay $0x5  }
0x38: {  	[tilespmem:$0x4030] =	vst v8  }
0x39: {  	v8 =	vld.idx.msk [tilespmem:v4+s3+$0x0], $0xffff;
	_ =	sdelay $0x5  }
0x3a: {  	[tilespmem:$0x4040] =	vst v8  }
0x3b: {  	v8 =	vld.idx.msk [tilespmem:v5+s3+$0x0], $0xffff;
	_ =	sdelay $0x5  }
0x3c: {  	[tilespmem:$0x4050] =	vst v8  }
0x3d: {  	v8 =	vld.idx.msk [tilespmem:v6+s3+$0x0], $0xffff;
	_ =	sdelay $0x5  }
0x3e: {  	[tilespmem:$0x4060] =	vst v8  }
0x3f: {  	v8 =	vld.idx.msk [tilespmem:v7+s3+$0x0], $0xffff;
	_ =	sdelay $0x5  }
0x40: {  	[tilespmem:$0x4070] =	vst v8  }
0x41: {  	[tilespmem:s8], [sflag:$0x1] =	stream.indirect.gather [hbm4b:s2+s6], $0x1, s7, s6, $0xb8;
	[tilespmem:$0x4100] =	vst v63  }
0x42: {  	_ =	swait.ge [sflag:s9], $0x80  }
.Ltmp1:
0x43: {  	[sflag:s9] =	ssyncset.done $0x0;
	(pc) =	sbr.rel @p0 .LBB2_1-.Ltmp1, $4  }
0x44: {  	[sflag:s9] =	ssyncadd.s32 $0xFFFFFF80  }
0x45: {  	[hbm4b:s10+s3] =	stream.linear.scatter [tilespmem:s8], [sflag:$0x2], $0x80, $0x38;
	[tilespmem:$0x4100] =	vst v63  }
0x46: {  	_ =	swait.ge [sflag:s4], $0x80  }
0x47: {  	[sflag:s4] =	ssyncset.done $0x0  }
.LBB2_2:
0x48: {  	[sflag:s4] =	ssyncadd.s32 $0xFFFFFF80  }
0x49: {  	_ =	sfence.sel $0x180000  }
0x4a: {  	[bflag:$0x0] =	sbarrier.arrive $0xFFFF  }
0x4b: {  	p0 =	sne.s32 s0, $0x0;
	_ =	strace $0x90000047  }
0x4c: {  	s0 =	sadd.s32 @!p0 $0x100000, s1;
	[bflag:$0x2] =	sbarrier.arrive $0xFFFF  }
0x4d: {  	[sflag:s0] =	ssyncadd.tile.s32 @!p0 $0x1;
	_ =	shalt  }
.Lfunc_end2:
_tile_overlayer_lowered:
.L_overlay_start_2:
0x4e: {  	(tag) =	ssettag $0x2  }
0x4f: {  	s0 =	rddreg [dreg:$0x0];
	s2 =	stileid.u32  }
0x50: {  	s1 =	rddreg [dreg:$0x1];
	p0 =	sne.s32 s2, $0x0  }
0x51: {  	s3 =	rddreg [dreg:$0x2];
	[bflag:$0x3] =	sbarrier.arrive $0xFFFF;
	s2 =	simm.s32 @!p0 $0x1C02  }
0x52: {  	[timem:s3], [sflag:s2] =	dma.local @!p0 [hbm:s0], s1  }
0x53: {  	s0 =	simm.s32 @!p0 $0x2  }
0x54: {  	_ =	swait.ge @!p0 [sflag:s0], s1  }
0x55: {  	s1 =	ssub.s32 @!p0 $0x0, s1;
	[sflag:s0] =	ssyncset.done @!p0 $0x0  }
0x56: {  	[sflag:s0] =	ssyncadd.s32 @!p0 s1  }
0x57: {  	[bflag:$0x3] =	sbarrier.arrive $0xFFFF  }
0x58: {  	_ =	shalt  }

</sc_bundles>
